<compile_context>
chip_gen: v7x
topology: tpu7x:2x2x1
jax: 0.10.2.dev20260603
libtpu: 0.0.44.dev20260713+nightly
codegen_flags: <defaults>
</compile_context>

<pallas_src>
import jax
import jax.numpy as jnp
from jax import lax
from jax.experimental import pallas as pl
from jax.experimental.pallas import tpu as pltpu, tpu_sc as plsc
from jax._src.pallas import mpmd

_SEQ, _HID = 8192, 1024
_NC, _NS = 2, 16
_ROWS_PER_C = _SEQ // _NC

_SP_CHUNK = 160
_SP_NCHUNK = 8
_SP_NBUF = 3
_SP_ROWS = _SP_CHUNK * _SP_NCHUNK

_ST_ROWS = _ROWS_PER_C - _SP_ROWS
_ST_PER_T = _ST_ROWS // _NS
_ST_CHUNKS = (48, 48, 48, 32)
_ST_BUF = 48

_scalar_mesh = plsc.ScalarSubcoreMesh(axis_name="c", num_cores=_NC)
_vector_mesh = plsc.VectorSubcoreMesh(core_axis_name="c", subcore_axis_name="s")


def _tec_fn(table_hbm, out_hbm, buf0, buf1, isem0, isem1, osem0, osem1,
            *_sp_refs):
    cid = lax.axis_index("c")
    sid = lax.axis_index("s")
    base = cid * _ROWS_PER_C + _SP_ROWS + sid * _ST_PER_T
    bufs = (buf0, buf1)
    isems = (isem0, isem1)
    osems = (osem0, osem1)
    n = len(_ST_CHUNKS)
    in_c = []
    out_c = []
    off = 0
    for j, rows in enumerate(_ST_CHUNKS):
        b = j % 2
        src = table_hbm.at[pl.ds(base + off, rows)]
        dst = out_hbm.at[pl.ds(base + off, rows)]
        buf = bufs[b] if rows == _ST_BUF else bufs[b].at[pl.ds(0, rows)]
        in_c.append(pltpu.make_async_copy(src, buf, isems[b]))
        out_c.append(pltpu.make_async_copy(buf, dst, osems[b]))
        off += rows
    in_c[0].start()
    for j in range(n):
        if j >= 1:
            out_c[j - 1].wait()
        if j + 1 < n:
            in_c[j + 1].start()
        in_c[j].wait()
        out_c[j].start()
    out_c[n - 1].wait()


def _scs_fn(table_hbm, out_hbm, _b0, _b1, _i0, _i1, _o0, _o1, *sp_refs):
    sp_bufs = sp_refs[:_SP_NBUF]
    sp_isems = sp_refs[_SP_NBUF : 2 * _SP_NBUF]
    sp_osems = sp_refs[2 * _SP_NBUF :]
    cid = lax.axis_index("c")
    base = cid * _ROWS_PER_C
    in_c = []
    out_c = []
    for j in range(_SP_NCHUNK):
        b = j % _SP_NBUF
        src = table_hbm.at[pl.ds(base + j * _SP_CHUNK, _SP_CHUNK)]
        dst = out_hbm.at[pl.ds(base + j * _SP_CHUNK, _SP_CHUNK)]
        in_c.append(pltpu.make_async_copy(src, sp_bufs[b], sp_isems[b]))
        out_c.append(pltpu.make_async_copy(sp_bufs[b], dst, sp_osems[b]))
    for j in range(_SP_NBUF):
        in_c[j].start()
    for j in range(_SP_NCHUNK):
        if j >= _SP_NBUF:
            out_c[j - _SP_NBUF].wait()
            in_c[j].start()
        in_c[j].wait()
        out_c[j].start()
    for j in range(_SP_NCHUNK - _SP_NBUF, _SP_NCHUNK):
        out_c[j].wait()


def _make_sc_copy():
    tec_vmem = pltpu.MemorySpace.VMEM @ _vector_mesh
    tec_sem = pltpu.SemaphoreType.DMA @ _vector_mesh
    scs_sem = pltpu.SemaphoreType.DMA @ _scalar_mesh
    scratch = (
        [tec_vmem((_ST_BUF, _HID), jnp.float32) for _ in range(2)]
        + [tec_sem for _ in range(4)]
        + [pltpu.VMEM_SHARED((_SP_CHUNK, _HID), jnp.float32)] * _SP_NBUF
        + [scs_sem for _ in range(2 * _SP_NBUF)]
    )
    return mpmd.mpmd_map(
        [(_scalar_mesh, _scs_fn), (_vector_mesh, _tec_fn)],
        out_types=jax.ShapeDtypeStruct((_SEQ, _HID), jnp.float32),
        scratch_types=scratch,
    )


def kernel(input_ids, table):
    return _make_sc_copy()(table)[None]

# --- scband reference (transcript-rebuilt; emitter-appended) ---
"""Pipeline reference for scband-positional-embeddings-60387240182207 (READ-ONLY COPY).

The authoritative reference and input builder live on the scoring server;
editing this copy changes nothing except your own understanding.
"""

import jax, jax.numpy as jnp
import numpy as np

SEQ_LEN = 8192
HIDDEN = 1024
BATCH = 4


def setup_inputs(seed: int = 0) -> dict:
    key = jax.random.key(seed)
    k1, k2 = jax.random.split(key)
    input_ids = jax.random.randint(k1, (BATCH, SEQ_LEN), 0, SEQ_LEN, dtype=jnp.int32)
    # Learned positional embedding table: [sequence_length, hidden_size]
    table = jax.random.normal(k2, (SEQ_LEN, HIDDEN), dtype=jnp.float32) * 0.02
    return {"input_ids": input_ids, "table": table}


def reference(input_ids, table):
    # Faithful translation of PositionalEmbeddings.call:
    #   seq_length = input_ids.shape[1]
    #   position_ids = tf.range(seq_length)[tf.newaxis, :]
    #   return embedding(position_ids)  -> shape (1, seq_length, hidden_size)
    seq_length = input_ids.shape[1]
    position_ids = jnp.arange(seq_length, dtype=jnp.int32)[None, :]
    position_embeddings = jnp.take(table, position_ids, axis=0)
    return position_embeddings

if __name__ == "__main__":
    import jax
    _d = setup_inputs()
    print(jax.jit(kernel)(*tuple(_d.values())))

</pallas_src>

<mosaic_0001>
#map = affine_map<(d0) -> (0, 0)>
#map1 = affine_map<(d0, d1) -> (0, 0)>
module attributes {stable_mosaic.version = 14 : i64} {
  func.func @_scs_fn(%arg0: i32, %arg1: memref<8192x1024xf32, #tpu.memory_space<hbm>>, %arg2: memref<8192x1024xf32, #tpu.memory_space<hbm>>, %arg3: memref<48x1024xf32, #tpu.memory_space<vmem, sc_vector_subcore>>, %arg4: memref<48x1024xf32, #tpu.memory_space<vmem, sc_vector_subcore>>, %arg5: memref<!tpu.dma_semaphore, #tpu.memory_space<semaphore_mem, sc_vector_subcore>>, %arg6: memref<!tpu.dma_semaphore, #tpu.memory_space<semaphore_mem, sc_vector_subcore>>, %arg7: memref<!tpu.dma_semaphore, #tpu.memory_space<semaphore_mem, sc_vector_subcore>>, %arg8: memref<!tpu.dma_semaphore, #tpu.memory_space<semaphore_mem, sc_vector_subcore>>, %arg9: memref<160x1024xf32, #tpu.memory_space<vmem_shared>>, %arg10: memref<160x1024xf32, #tpu.memory_space<vmem_shared>>, %arg11: memref<160x1024xf32, #tpu.memory_space<vmem_shared>>, %arg12: memref<!tpu.dma_semaphore, #tpu.memory_space<semaphore_mem>>, %arg13: memref<!tpu.dma_semaphore, #tpu.memory_space<semaphore_mem>>, %arg14: memref<!tpu.dma_semaphore, #tpu.memory_space<semaphore_mem>>, %arg15: memref<!tpu.dma_semaphore, #tpu.memory_space<semaphore_mem>>, %arg16: memref<!tpu.dma_semaphore, #tpu.memory_space<semaphore_mem>>, %arg17: memref<!tpu.dma_semaphore, #tpu.memory_space<semaphore_mem>>) attributes {dimension_semantics = [#tpu.dimension_semantics<core_parallel>], iteration_bounds = array<i64: 2>, scalar_prefetch = 0 : i64, scratch_operands = 15 : i64, tpu.core_type = #tpu.core_type<sc_scalar_subcore>, window_params = [{transform_indices = #map}, {transform_indices = #map}]} {
    %mul3A = arith.constant 4096 : i32
    %mul3A_0 = arith.muli %arg0, %mul3A : i32
    %add3A = arith.constant 0 : i32
    %add3A_1 = arith.addi %mul3A_0, %add3A : i32
    %add3A_2 = arith.constant 0 : i32
    %add3A_3 = arith.addi %mul3A_0, %add3A_2 : i32
    %add3A_4 = arith.constant 160 : i32
    %add3A_5 = arith.addi %mul3A_0, %add3A_4 : i32
    %add3A_6 = arith.constant 160 : i32
    %add3A_7 = arith.addi %mul3A_0, %add3A_6 : i32
    %add3A_8 = arith.constant 320 : i32
    %add3A_9 = arith.addi %mul3A_0, %add3A_8 : i32
    %add3A_10 = arith.constant 320 : i32
    %add3A_11 = arith.addi %mul3A_0, %add3A_10 : i32
    %add3A_12 = arith.constant 480 : i32
    %add3A_13 = arith.addi %mul3A_0, %add3A_12 : i32
    %add3A_14 = arith.constant 480 : i32
    %add3A_15 = arith.addi %mul3A_0, %add3A_14 : i32
    %add3A_16 = arith.constant 640 : i32
    %add3A_17 = arith.addi %mul3A_0, %add3A_16 : i32
    %add3A_18 = arith.constant 640 : i32
    %add3A_19 = arith.addi %mul3A_0, %add3A_18 : i32
    %add3A_20 = arith.constant 800 : i32
    %add3A_21 = arith.addi %mul3A_0, %add3A_20 : i32
    %add3A_22 = arith.constant 800 : i32
    %add3A_23 = arith.addi %mul3A_0, %add3A_22 : i32
    %add3A_24 = arith.constant 960 : i32
    %add3A_25 = arith.addi %mul3A_0, %add3A_24 : i32
    %add3A_26 = arith.constant 960 : i32
    %add3A_27 = arith.addi %mul3A_0, %add3A_26 : i32
    %add3A_28 = arith.constant 1120 : i32
    %add3A_29 = arith.addi %mul3A_0, %add3A_28 : i32
    %add3A_30 = arith.constant 1120 : i32
    %add3A_31 = arith.addi %mul3A_0, %add3A_30 : i32
    %dma_start3A = arith.constant 0 : i32
    %dma_start3A_32 = tpu.memref_slice %arg1[%add3A_1, %dma_start3A] : memref<8192x1024xf32, #tpu.memory_space<hbm>> -> memref<160x1024xf32, #tpu.memory_space<hbm>>
    tpu.enqueue_dma source(%dma_start3A_32 : memref<160x1024xf32, #tpu.memory_space<hbm>>) target(%arg9 : memref<160x1024xf32, #tpu.memory_space<vmem_shared>>) target_semaphore(%arg12 : memref<!tpu.dma_semaphore, #tpu.memory_space<semaphore_mem>>)
    %dma_start3A_33 = arith.constant 0 : i32
    %dma_start3A_34 = tpu.memref_slice %arg1[%add3A_5, %dma_start3A_33] : memref<8192x1024xf32, #tpu.memory_space<hbm>> -> memref<160x1024xf32, #tpu.memory_space<hbm>>
    tpu.enqueue_dma source(%dma_start3A_34 : memref<160x1024xf32, #tpu.memory_space<hbm>>) target(%arg10 : memref<160x1024xf32, #tpu.memory_space<vmem_shared>>) target_semaphore(%arg13 : memref<!tpu.dma_semaphore, #tpu.memory_space<semaphore_mem>>)
    %dma_start3A_35 = arith.constant 0 : i32
    %dma_start3A_36 = tpu.memref_slice %arg1[%add3A_9, %dma_start3A_35] : memref<8192x1024xf32, #tpu.memory_space<hbm>> -> memref<160x1024xf32, #tpu.memory_space<hbm>>
    tpu.enqueue_dma source(%dma_start3A_36 : memref<160x1024xf32, #tpu.memory_space<hbm>>) target(%arg11 : memref<160x1024xf32, #tpu.memory_space<vmem_shared>>) target_semaphore(%arg14 : memref<!tpu.dma_semaphore, #tpu.memory_space<semaphore_mem>>)
    %dma_wait3A = arith.constant 0 : i32
    %dma_wait3A_37 = tpu.memref_slice %arg1[%add3A_1, %dma_wait3A] : memref<8192x1024xf32, #tpu.memory_space<hbm>> -> memref<160x1024xf32, #tpu.memory_space<hbm>>
    tpu.wait_dma2 semaphore(%arg12 : memref<!tpu.dma_semaphore, #tpu.memory_space<semaphore_mem>>) src(%dma_wait3A_37 : memref<160x1024xf32, #tpu.memory_space<hbm>>) dst(%arg9 : memref<160x1024xf32, #tpu.memory_space<vmem_shared>>)
    %dma_start3A_38 = arith.constant 0 : i32
    %dma_start3A_39 = tpu.memref_slice %arg2[%add3A_3, %dma_start3A_38] : memref<8192x1024xf32, #tpu.memory_space<hbm>> -> memref<160x1024xf32, #tpu.memory_space<hbm>>
    tpu.enqueue_dma source(%arg9 : memref<160x1024xf32, #tpu.memory_space<vmem_shared>>) target(%dma_start3A_39 : memref<160x1024xf32, #tpu.memory_space<hbm>>) target_semaphore(%arg15 : memref<!tpu.dma_semaphore, #tpu.memory_space<semaphore_mem>>)
    %dma_wait3A_40 = arith.constant 0 : i32
    %dma_wait3A_41 = tpu.memref_slice %arg1[%add3A_5, %dma_wait3A_40] : memref<8192x1024xf32, #tpu.memory_space<hbm>> -> memref<160x1024xf32, #tpu.memory_space<hbm>>
    tpu.wait_dma2 semaphore(%arg13 : memref<!tpu.dma_semaphore, #tpu.memory_space<semaphore_mem>>) src(%dma_wait3A_41 : memref<160x1024xf32, #tpu.memory_space<hbm>>) dst(%arg10 : memref<160x1024xf32, #tpu.memory_space<vmem_shared>>)
    %dma_start3A_42 = arith.constant 0 : i32
    %dma_start3A_43 = tpu.memref_slice %arg2[%add3A_7, %dma_start3A_42] : memref<8192x1024xf32, #tpu.memory_space<hbm>> -> memref<160x1024xf32, #tpu.memory_space<hbm>>
    tpu.enqueue_dma source(%arg10 : memref<160x1024xf32, #tpu.memory_space<vmem_shared>>) target(%dma_start3A_43 : memref<160x1024xf32, #tpu.memory_space<hbm>>) target_semaphore(%arg16 : memref<!tpu.dma_semaphore, #tpu.memory_space<semaphore_mem>>)
    %dma_wait3A_44 = arith.constant 0 : i32
    %dma_wait3A_45 = tpu.memref_slice %arg1[%add3A_9, %dma_wait3A_44] : memref<8192x1024xf32, #tpu.memory_space<hbm>> -> memref<160x1024xf32, #tpu.memory_space<hbm>>
    tpu.wait_dma2 semaphore(%arg14 : memref<!tpu.dma_semaphore, #tpu.memory_space<semaphore_mem>>) src(%dma_wait3A_45 : memref<160x1024xf32, #tpu.memory_space<hbm>>) dst(%arg11 : memref<160x1024xf32, #tpu.memory_space<vmem_shared>>)
    %dma_start3A_46 = arith.constant 0 : i32
    %dma_start3A_47 = tpu.memref_slice %arg2[%add3A_11, %dma_start3A_46] : memref<8192x1024xf32, #tpu.memory_space<hbm>> -> memref<160x1024xf32, #tpu.memory_space<hbm>>
    tpu.enqueue_dma source(%arg11 : memref<160x1024xf32, #tpu.memory_space<vmem_shared>>) target(%dma_start3A_47 : memref<160x1024xf32, #tpu.memory_space<hbm>>) target_semaphore(%arg17 : memref<!tpu.dma_semaphore, #tpu.memory_space<semaphore_mem>>)
    %dma_wait3A_48 = arith.constant 0 : i32
    %dma_wait3A_49 = tpu.memref_slice %arg2[%add3A_3, %dma_wait3A_48] : memref<8192x1024xf32, #tpu.memory_space<hbm>> -> memref<160x1024xf32, #tpu.memory_space<hbm>>
    tpu.wait_dma2 semaphore(%arg15 : memref<!tpu.dma_semaphore, #tpu.memory_space<semaphore_mem>>) src(%arg9 : memref<160x1024xf32, #tpu.memory_space<vmem_shared>>) dst(%dma_wait3A_49 : memref<160x1024xf32, #tpu.memory_space<hbm>>)
    %dma_start3A_50 = arith.constant 0 : i32
    %dma_start3A_51 = tpu.memref_slice %arg1[%add3A_13, %dma_start3A_50] : memref<8192x1024xf32, #tpu.memory_space<hbm>> -> memref<160x1024xf32, #tpu.memory_space<hbm>>
    tpu.enqueue_dma source(%dma_start3A_51 : memref<160x1024xf32, #tpu.memory_space<hbm>>) target(%arg9 : memref<160x1024xf32, #tpu.memory_space<vmem_shared>>) target_semaphore(%arg12 : memref<!tpu.dma_semaphore, #tpu.memory_space<semaphore_mem>>)
    %dma_wait3A_52 = arith.constant 0 : i32
    %dma_wait3A_53 = tpu.memref_slice %arg1[%add3A_13, %dma_wait3A_52] : memref<8192x1024xf32, #tpu.memory_space<hbm>> -> memref<160x1024xf32, #tpu.memory_space<hbm>>
    tpu.wait_dma2 semaphore(%arg12 : memref<!tpu.dma_semaphore, #tpu.memory_space<semaphore_mem>>) src(%dma_wait3A_53 : memref<160x1024xf32, #tpu.memory_space<hbm>>) dst(%arg9 : memref<160x1024xf32, #tpu.memory_space<vmem_shared>>)
    %dma_start3A_54 = arith.constant 0 : i32
    %dma_start3A_55 = tpu.memref_slice %arg2[%add3A_15, %dma_start3A_54] : memref<8192x1024xf32, #tpu.memory_space<hbm>> -> memref<160x1024xf32, #tpu.memory_space<hbm>>
    tpu.enqueue_dma source(%arg9 : memref<160x1024xf32, #tpu.memory_space<vmem_shared>>) target(%dma_start3A_55 : memref<160x1024xf32, #tpu.memory_space<hbm>>) target_semaphore(%arg15 : memref<!tpu.dma_semaphore, #tpu.memory_space<semaphore_mem>>)
    %dma_wait3A_56 = arith.constant 0 : i32
    %dma_wait3A_57 = tpu.memref_slice %arg2[%add3A_7, %dma_wait3A_56] : memref<8192x1024xf32, #tpu.memory_space<hbm>> -> memref<160x1024xf32, #tpu.memory_space<hbm>>
    tpu.wait_dma2 semaphore(%arg16 : memref<!tpu.dma_semaphore, #tpu.memory_space<semaphore_mem>>) src(%arg10 : memref<160x1024xf32, #tpu.memory_space<vmem_shared>>) dst(%dma_wait3A_57 : memref<160x1024xf32, #tpu.memory_space<hbm>>)
    %dma_start3A_58 = arith.constant 0 : i32
    %dma_start3A_59 = tpu.memref_slice %arg1[%add3A_17, %dma_start3A_58] : memref<8192x1024xf32, #tpu.memory_space<hbm>> -> memref<160x1024xf32, #tpu.memory_space<hbm>>
    tpu.enqueue_dma source(%dma_start3A_59 : memref<160x1024xf32, #tpu.memory_space<hbm>>) target(%arg10 : memref<160x1024xf32, #tpu.memory_space<vmem_shared>>) target_semaphore(%arg13 : memref<!tpu.dma_semaphore, #tpu.memory_space<semaphore_mem>>)
    %dma_wait3A_60 = arith.constant 0 : i32
    %dma_wait3A_61 = tpu.memref_slice %arg1[%add3A_17, %dma_wait3A_60] : memref<8192x1024xf32, #tpu.memory_space<hbm>> -> memref<160x1024xf32, #tpu.memory_space<hbm>>
    tpu.wait_dma2 semaphore(%arg13 : memref<!tpu.dma_semaphore, #tpu.memory_space<semaphore_mem>>) src(%dma_wait3A_61 : memref<160x1024xf32, #tpu.memory_space<hbm>>) dst(%arg10 : memref<160x1024xf32, #tpu.memory_space<vmem_shared>>)
    %dma_start3A_62 = arith.constant 0 : i32
    %dma_start3A_63 = tpu.memref_slice %arg2[%add3A_19, %dma_start3A_62] : memref<8192x1024xf32, #tpu.memory_space<hbm>> -> memref<160x1024xf32, #tpu.memory_space<hbm>>
    tpu.enqueue_dma source(%arg10 : memref<160x1024xf32, #tpu.memory_space<vmem_shared>>) target(%dma_start3A_63 : memref<160x1024xf32, #tpu.memory_space<hbm>>) target_semaphore(%arg16 : memref<!tpu.dma_semaphore, #tpu.memory_space<semaphore_mem>>)
    %dma_wait3A_64 = arith.constant 0 : i32
    %dma_wait3A_65 = tpu.memref_slice %arg2[%add3A_11, %dma_wait3A_64] : memref<8192x1024xf32, #tpu.memory_space<hbm>> -> memref<160x1024xf32, #tpu.memory_space<hbm>>
    tpu.wait_dma2 semaphore(%arg17 : memref<!tpu.dma_semaphore, #tpu.memory_space<semaphore_mem>>) src(%arg11 : memref<160x1024xf32, #tpu.memory_space<vmem_shared>>) dst(%dma_wait3A_65 : memref<160x1024xf32, #tpu.memory_space<hbm>>)
    %dma_start3A_66 = arith.constant 0 : i32
    %dma_start3A_67 = tpu.memref_slice %arg1[%add3A_21, %dma_start3A_66] : memref<8192x1024xf32, #tpu.memory_space<hbm>> -> memref<160x1024xf32, #tpu.memory_space<hbm>>
    tpu.enqueue_dma source(%dma_start3A_67 : memref<160x1024xf32, #tpu.memory_space<hbm>>) target(%arg11 : memref<160x1024xf32, #tpu.memory_space<vmem_shared>>) target_semaphore(%arg14 : memref<!tpu.dma_semaphore, #tpu.memory_space<semaphore_mem>>)
    %dma_wait3A_68 = arith.constant 0 : i32
    %dma_wait3A_69 = tpu.memref_slice %arg1[%add3A_21, %dma_wait3A_68] : memref<8192x1024xf32, #tpu.memory_space<hbm>> -> memref<160x1024xf32, #tpu.memory_space<hbm>>
    tpu.wait_dma2 semaphore(%arg14 : memref<!tpu.dma_semaphore, #tpu.memory_space<semaphore_mem>>) src(%dma_wait3A_69 : memref<160x1024xf32, #tpu.memory_space<hbm>>) dst(%arg11 : memref<160x1024xf32, #tpu.memory_space<vmem_shared>>)
    %dma_start3A_70 = arith.constant 0 : i32
    %dma_start3A_71 = tpu.memref_slice %arg2[%add3A_23, %dma_start3A_70] : memref<8192x1024xf32, #tpu.memory_space<hbm>> -> memref<160x1024xf32, #tpu.memory_space<hbm>>
    tpu.enqueue_dma source(%arg11 : memref<160x1024xf32, #tpu.memory_space<vmem_shared>>) target(%dma_start3A_71 : memref<160x1024xf32, #tpu.memory_space<hbm>>) target_semaphore(%arg17 : memref<!tpu.dma_semaphore, #tpu.memory_space<semaphore_mem>>)
    %dma_wait3A_72 = arith.constant 0 : i32
    %dma_wait3A_73 = tpu.memref_slice %arg2[%add3A_15, %dma_wait3A_72] : memref<8192x1024xf32, #tpu.memory_space<hbm>> -> memref<160x1024xf32, #tpu.memory_space<hbm>>
    tpu.wait_dma2 semaphore(%arg15 : memref<!tpu.dma_semaphore, #tpu.memory_space<semaphore_mem>>) src(%arg9 : memref<160x1024xf32, #tpu.memory_space<vmem_shared>>) dst(%dma_wait3A_73 : memref<160x1024xf32, #tpu.memory_space<hbm>>)
    %dma_start3A_74 = arith.constant 0 : i32
    %dma_start3A_75 = tpu.memref_slice %arg1[%add3A_25, %dma_start3A_74] : memref<8192x1024xf32, #tpu.memory_space<hbm>> -> memref<160x1024xf32, #tpu.memory_space<hbm>>
    tpu.enqueue_dma source(%dma_start3A_75 : memref<160x1024xf32, #tpu.memory_space<hbm>>) target(%arg9 : memref<160x1024xf32, #tpu.memory_space<vmem_shared>>) target_semaphore(%arg12 : memref<!tpu.dma_semaphore, #tpu.memory_space<semaphore_mem>>)
    %dma_wait3A_76 = arith.constant 0 : i32
    %dma_wait3A_77 = tpu.memref_slice %arg1[%add3A_25, %dma_wait3A_76] : memref<8192x1024xf32, #tpu.memory_space<hbm>> -> memref<160x1024xf32, #tpu.memory_space<hbm>>
    tpu.wait_dma2 semaphore(%arg12 : memref<!tpu.dma_semaphore, #tpu.memory_space<semaphore_mem>>) src(%dma_wait3A_77 : memref<160x1024xf32, #tpu.memory_space<hbm>>) dst(%arg9 : memref<160x1024xf32, #tpu.memory_space<vmem_shared>>)
    %dma_start3A_78 = arith.constant 0 : i32
    %dma_start3A_79 = tpu.memref_slice %arg2[%add3A_27, %dma_start3A_78] : memref<8192x1024xf32, #tpu.memory_space<hbm>> -> memref<160x1024xf32, #tpu.memory_space<hbm>>
    tpu.enqueue_dma source(%arg9 : memref<160x1024xf32, #tpu.memory_space<vmem_shared>>) target(%dma_start3A_79 : memref<160x1024xf32, #tpu.memory_space<hbm>>) target_semaphore(%arg15 : memref<!tpu.dma_semaphore, #tpu.memory_space<semaphore_mem>>)
    %dma_wait3A_80 = arith.constant 0 : i32
    %dma_wait3A_81 = tpu.memref_slice %arg2[%add3A_19, %dma_wait3A_80] : memref<8192x1024xf32, #tpu.memory_space<hbm>> -> memref<160x1024xf32, #tpu.memory_space<hbm>>
    tpu.wait_dma2 semaphore(%arg16 : memref<!tpu.dma_semaphore, #tpu.memory_space<semaphore_mem>>) src(%arg10 : memref<160x1024xf32, #tpu.memory_space<vmem_shared>>) dst(%dma_wait3A_81 : memref<160x1024xf32, #tpu.memory_space<hbm>>)
    %dma_start3A_82 = arith.constant 0 : i32
    %dma_start3A_83 = tpu.memref_slice %arg1[%add3A_29, %dma_start3A_82] : memref<8192x1024xf32, #tpu.memory_space<hbm>> -> memref<160x1024xf32, #tpu.memory_space<hbm>>
    tpu.enqueue_dma source(%dma_start3A_83 : memref<160x1024xf32, #tpu.memory_space<hbm>>) target(%arg10 : memref<160x1024xf32, #tpu.memory_space<vmem_shared>>) target_semaphore(%arg13 : memref<!tpu.dma_semaphore, #tpu.memory_space<semaphore_mem>>)
    %dma_wait3A_84 = arith.constant 0 : i32
    %dma_wait3A_85 = tpu.memref_slice %arg1[%add3A_29, %dma_wait3A_84] : memref<8192x1024xf32, #tpu.memory_space<hbm>> -> memref<160x1024xf32, #tpu.memory_space<hbm>>
    tpu.wait_dma2 semaphore(%arg13 : memref<!tpu.dma_semaphore, #tpu.memory_space<semaphore_mem>>) src(%dma_wait3A_85 : memref<160x1024xf32, #tpu.memory_space<hbm>>) dst(%arg10 : memref<160x1024xf32, #tpu.memory_space<vmem_shared>>)
    %dma_start3A_86 = arith.constant 0 : i32
    %dma_start3A_87 = tpu.memref_slice %arg2[%add3A_31, %dma_start3A_86] : memref<8192x1024xf32, #tpu.memory_space<hbm>> -> memref<160x1024xf32, #tpu.memory_space<hbm>>
    tpu.enqueue_dma source(%arg10 : memref<160x1024xf32, #tpu.memory_space<vmem_shared>>) target(%dma_start3A_87 : memref<160x1024xf32, #tpu.memory_space<hbm>>) target_semaphore(%arg16 : memref<!tpu.dma_semaphore, #tpu.memory_space<semaphore_mem>>)
    %dma_wait3A_88 = arith.constant 0 : i32
    %dma_wait3A_89 = tpu.memref_slice %arg2[%add3A_23, %dma_wait3A_88] : memref<8192x1024xf32, #tpu.memory_space<hbm>> -> memref<160x1024xf32, #tpu.memory_space<hbm>>
    tpu.wait_dma2 semaphore(%arg17 : memref<!tpu.dma_semaphore, #tpu.memory_space<semaphore_mem>>) src(%arg11 : memref<160x1024xf32, #tpu.memory_space<vmem_shared>>) dst(%dma_wait3A_89 : memref<160x1024xf32, #tpu.memory_space<hbm>>)
    %dma_wait3A_90 = arith.constant 0 : i32
    %dma_wait3A_91 = tpu.memref_slice %arg2[%add3A_27, %dma_wait3A_90] : memref<8192x1024xf32, #tpu.memory_space<hbm>> -> memref<160x1024xf32, #tpu.memory_space<hbm>>
    tpu.wait_dma2 semaphore(%arg15 : memref<!tpu.dma_semaphore, #tpu.memory_space<semaphore_mem>>) src(%arg9 : memref<160x1024xf32, #tpu.memory_space<vmem_shared>>) dst(%dma_wait3A_91 : memref<160x1024xf32, #tpu.memory_space<hbm>>)
    %dma_wait3A_92 = arith.constant 0 : i32
    %dma_wait3A_93 = tpu.memref_slice %arg2[%add3A_31, %dma_wait3A_92] : memref<8192x1024xf32, #tpu.memory_space<hbm>> -> memref<160x1024xf32, #tpu.memory_space<hbm>>
    tpu.wait_dma2 semaphore(%arg16 : memref<!tpu.dma_semaphore, #tpu.memory_space<semaphore_mem>>) src(%arg10 : memref<160x1024xf32, #tpu.memory_space<vmem_shared>>) dst(%dma_wait3A_93 : memref<160x1024xf32, #tpu.memory_space<hbm>>)
    return
  }
  func.func @_tec_fn(%arg0: i32, %arg1: i32, %arg2: memref<8192x1024xf32, #tpu.memory_space<hbm>>, %arg3: memref<8192x1024xf32, #tpu.memory_space<hbm>>, %arg4: memref<48x1024xf32, #tpu.memory_space<vmem>>, %arg5: memref<48x1024xf32, #tpu.memory_space<vmem>>, %arg6: memref<!tpu.dma_semaphore, #tpu.memory_space<semaphore_mem>>, %arg7: memref<!tpu.dma_semaphore, #tpu.memory_space<semaphore_mem>>, %arg8: memref<!tpu.dma_semaphore, #tpu.memory_space<semaphore_mem>>, %arg9: memref<!tpu.dma_semaphore, #tpu.memory_space<semaphore_mem>>, %arg10: memref<160x1024xf32, #tpu.memory_space<vmem_shared>>, %arg11: memref<160x1024xf32, #tpu.memory_space<vmem_shared>>, %arg12: memref<160x1024xf32, #tpu.memory_space<vmem_shared>>, %arg13: memref<!tpu.dma_semaphore, #tpu.memory_space<semaphore_mem, sc_scalar_subcore>>, %arg14: memref<!tpu.dma_semaphore, #tpu.memory_space<semaphore_mem, sc_scalar_subcore>>, %arg15: memref<!tpu.dma_semaphore, #tpu.memory_space<semaphore_mem, sc_scalar_subcore>>, %arg16: memref<!tpu.dma_semaphore, #tpu.memory_space<semaphore_mem, sc_scalar_subcore>>, %arg17: memref<!tpu.dma_semaphore, #tpu.memory_space<semaphore_mem, sc_scalar_subcore>>, %arg18: memref<!tpu.dma_semaphore, #tpu.memory_space<semaphore_mem, sc_scalar_subcore>>) attributes {dimension_semantics = [#tpu.dimension_semantics<core_parallel>, #tpu.dimension_semantics<subcore_parallel>], iteration_bounds = array<i64: 2, 16>, scalar_prefetch = 0 : i64, scratch_operands = 15 : i64, tpu.core_type = #tpu.core_type<sc_vector_subcore>, window_params = [{transform_indices = #map1}, {transform_indices = #map1}]} {
    %mul3A = arith.constant 4096 : i32
    %mul3A_0 = arith.muli %arg0, %mul3A : i32
    %add3A = arith.constant 1280 : i32
    %add3A_1 = arith.addi %mul3A_0, %add3A : i32
    %mul3A_2 = arith.constant 176 : i32
    %mul3A_3 = arith.muli %arg1, %mul3A_2 : i32
    %add3A_4 = arith.addi %add3A_1, %mul3A_3 : i32
    %add3A_5 = arith.constant 0 : i32
    %add3A_6 = arith.addi %add3A_4, %add3A_5 : i32
    %add3A_7 = arith.constant 0 : i32
    %add3A_8 = arith.addi %add3A_4, %add3A_7 : i32
    %add3A_9 = arith.constant 48 : i32
    %add3A_10 = arith.addi %add3A_4, %add3A_9 : i32
    %add3A_11 = arith.constant 48 : i32
    %add3A_12 = arith.addi %add3A_4, %add3A_11 : i32
    %add3A_13 = arith.constant 96 : i32
    %add3A_14 = arith.addi %add3A_4, %add3A_13 : i32
    %add3A_15 = arith.constant 96 : i32
    %add3A_16 = arith.addi %add3A_4, %add3A_15 : i32
    %add3A_17 = arith.constant 144 : i32
    %add3A_18 = arith.addi %add3A_4, %add3A_17 : i32
    %add3A_19 = arith.constant 144 : i32
    %add3A_20 = arith.addi %add3A_4, %add3A_19 : i32
    %dma_start3A = arith.constant 0 : i32
    %dma_start3A_21 = tpu.memref_slice %arg2[%add3A_6, %dma_start3A] : memref<8192x1024xf32, #tpu.memory_space<hbm>> -> memref<48x1024xf32, #tpu.memory_space<hbm>>
    %dma_start3A_22 = arith.constant 0 : i32
    %dma_start3A_23 = tpu.memref_slice %arg2[%add3A_6, %dma_start3A_22] : memref<8192x1024xf32, #tpu.memory_space<hbm>> -> memref<48x1024xf32, #tpu.memory_space<hbm>>
    tpu.enqueue_dma source(%dma_start3A_23 : memref<48x1024xf32, #tpu.memory_space<hbm>>) target(%arg4 : memref<48x1024xf32, #tpu.memory_space<vmem>>) target_semaphore(%arg6 : memref<!tpu.dma_semaphore, #tpu.memory_space<semaphore_mem>>)
    %dma_start3A_24 = arith.constant 0 : i32
    %dma_start3A_25 = tpu.memref_slice %arg2[%add3A_10, %dma_start3A_24] : memref<8192x1024xf32, #tpu.memory_space<hbm>> -> memref<48x1024xf32, #tpu.memory_space<hbm>>
    %dma_start3A_26 = arith.constant 0 : i32
    %dma_start3A_27 = tpu.memref_slice %arg2[%add3A_10, %dma_start3A_26] : memref<8192x1024xf32, #tpu.memory_space<hbm>> -> memref<48x1024xf32, #tpu.memory_space<hbm>>
    tpu.enqueue_dma source(%dma_start3A_27 : memref<48x1024xf32, #tpu.memory_space<hbm>>) target(%arg5 : memref<48x1024xf32, #tpu.memory_space<vmem>>) target_semaphore(%arg7 : memref<!tpu.dma_semaphore, #tpu.memory_space<semaphore_mem>>)
    %dma_wait3A = arith.constant 0 : i32
    %dma_wait3A_28 = tpu.memref_slice %arg2[%add3A_6, %dma_wait3A] : memref<8192x1024xf32, #tpu.memory_space<hbm>> -> memref<48x1024xf32, #tpu.memory_space<hbm>>
    %dma_wait3A_29 = arith.constant 0 : i32
    %dma_wait3A_30 = tpu.memref_slice %arg2[%add3A_6, %dma_wait3A_29] : memref<8192x1024xf32, #tpu.memory_space<hbm>> -> memref<48x1024xf32, #tpu.memory_space<hbm>>
    tpu.wait_dma2 semaphore(%arg6 : memref<!tpu.dma_semaphore, #tpu.memory_space<semaphore_mem>>) src(%dma_wait3A_30 : memref<48x1024xf32, #tpu.memory_space<hbm>>) dst(%arg4 : memref<48x1024xf32, #tpu.memory_space<vmem>>)
    %dma_start3A_31 = arith.constant 0 : i32
    %dma_start3A_32 = tpu.memref_slice %arg3[%add3A_8, %dma_start3A_31] : memref<8192x1024xf32, #tpu.memory_space<hbm>> -> memref<48x1024xf32, #tpu.memory_space<hbm>>
    %dma_start3A_33 = arith.constant 0 : i32
    %dma_start3A_34 = tpu.memref_slice %arg3[%add3A_8, %dma_start3A_33] : memref<8192x1024xf32, #tpu.memory_space<hbm>> -> memref<48x1024xf32, #tpu.memory_space<hbm>>
    tpu.enqueue_dma source(%arg4 : memref<48x1024xf32, #tpu.memory_space<vmem>>) target(%dma_start3A_34 : memref<48x1024xf32, #tpu.memory_space<hbm>>) target_semaphore(%arg8 : memref<!tpu.dma_semaphore, #tpu.memory_space<semaphore_mem>>)
    %dma_wait3A_35 = arith.constant 0 : i32
    %dma_wait3A_36 = tpu.memref_slice %arg3[%add3A_8, %dma_wait3A_35] : memref<8192x1024xf32, #tpu.memory_space<hbm>> -> memref<48x1024xf32, #tpu.memory_space<hbm>>
    %dma_wait3A_37 = arith.constant 0 : i32
    %dma_wait3A_38 = tpu.memref_slice %arg3[%add3A_8, %dma_wait3A_37] : memref<8192x1024xf32, #tpu.memory_space<hbm>> -> memref<48x1024xf32, #tpu.memory_space<hbm>>
    tpu.wait_dma2 semaphore(%arg8 : memref<!tpu.dma_semaphore, #tpu.memory_space<semaphore_mem>>) src(%arg4 : memref<48x1024xf32, #tpu.memory_space<vmem>>) dst(%dma_wait3A_38 : memref<48x1024xf32, #tpu.memory_space<hbm>>)
    %dma_start3A_39 = arith.constant 0 : i32
    %dma_start3A_40 = tpu.memref_slice %arg2[%add3A_14, %dma_start3A_39] : memref<8192x1024xf32, #tpu.memory_space<hbm>> -> memref<48x1024xf32, #tpu.memory_space<hbm>>
    %dma_start3A_41 = arith.constant 0 : i32
    %dma_start3A_42 = tpu.memref_slice %arg2[%add3A_14, %dma_start3A_41] : memref<8192x1024xf32, #tpu.memory_space<hbm>> -> memref<48x1024xf32, #tpu.memory_space<hbm>>
    tpu.enqueue_dma source(%dma_start3A_42 : memref<48x1024xf32, #tpu.memory_space<hbm>>) target(%arg4 : memref<48x1024xf32, #tpu.memory_space<vmem>>) target_semaphore(%arg6 : memref<!tpu.dma_semaphore, #tpu.memory_space<semaphore_mem>>)
    %dma_wait3A_43 = arith.constant 0 : i32
    %dma_wait3A_44 = tpu.memref_slice %arg2[%add3A_10, %dma_wait3A_43] : memref<8192x1024xf32, #tpu.memory_space<hbm>> -> memref<48x1024xf32, #tpu.memory_space<hbm>>
    %dma_wait3A_45 = arith.constant 0 : i32
    %dma_wait3A_46 = tpu.memref_slice %arg2[%add3A_10, %dma_wait3A_45] : memref<8192x1024xf32, #tpu.memory_space<hbm>> -> memref<48x1024xf32, #tpu.memory_space<hbm>>
    tpu.wait_dma2 semaphore(%arg7 : memref<!tpu.dma_semaphore, #tpu.memory_space<semaphore_mem>>) src(%dma_wait3A_46 : memref<48x1024xf32, #tpu.memory_space<hbm>>) dst(%arg5 : memref<48x1024xf32, #tpu.memory_space<vmem>>)
    %dma_start3A_47 = arith.constant 0 : i32
    %dma_start3A_48 = tpu.memref_slice %arg3[%add3A_12, %dma_start3A_47] : memref<8192x1024xf32, #tpu.memory_space<hbm>> -> memref<48x1024xf32, #tpu.memory_space<hbm>>
    %dma_start3A_49 = arith.constant 0 : i32
    %dma_start3A_50 = tpu.memref_slice %arg3[%add3A_12, %dma_start3A_49] : memref<8192x1024xf32, #tpu.memory_space<hbm>> -> memref<48x1024xf32, #tpu.memory_space<hbm>>
    tpu.enqueue_dma source(%arg5 : memref<48x1024xf32, #tpu.memory_space<vmem>>) target(%dma_start3A_50 : memref<48x1024xf32, #tpu.memory_space<hbm>>) target_semaphore(%arg9 : memref<!tpu.dma_semaphore, #tpu.memory_space<semaphore_mem>>)
    %dma_wait3A_51 = arith.constant 0 : i32
    %dma_wait3A_52 = tpu.memref_slice %arg3[%add3A_12, %dma_wait3A_51] : memref<8192x1024xf32, #tpu.memory_space<hbm>> -> memref<48x1024xf32, #tpu.memory_space<hbm>>
    %dma_wait3A_53 = arith.constant 0 : i32
    %dma_wait3A_54 = tpu.memref_slice %arg3[%add3A_12, %dma_wait3A_53] : memref<8192x1024xf32, #tpu.memory_space<hbm>> -> memref<48x1024xf32, #tpu.memory_space<hbm>>
    tpu.wait_dma2 semaphore(%arg9 : memref<!tpu.dma_semaphore, #tpu.memory_space<semaphore_mem>>) src(%arg5 : memref<48x1024xf32, #tpu.memory_space<vmem>>) dst(%dma_wait3A_54 : memref<48x1024xf32, #tpu.memory_space<hbm>>)
    %dma_start3A_55 = arith.constant 0 : i32
    %dma_start3A_56 = arith.constant 0 : i32
    %dma_start3A_57 = tpu.memref_slice %arg5[%dma_start3A_55, %dma_start3A_56] : memref<48x1024xf32, #tpu.memory_space<vmem>> -> memref<32x1024xf32, #tpu.memory_space<vmem>>
    %dma_start3A_58 = arith.constant 0 : i32
    %dma_start3A_59 = tpu.memref_slice %arg2[%add3A_18, %dma_start3A_58] : memref<8192x1024xf32, #tpu.memory_space<hbm>> -> memref<32x1024xf32, #tpu.memory_space<hbm>>
    %dma_start3A_60 = arith.constant 0 : i32
    %dma_start3A_61 = arith.constant 0 : i32
    %dma_start3A_62 = tpu.memref_slice %arg5[%dma_start3A_60, %dma_start3A_61] : memref<48x1024xf32, #tpu.memory_space<vmem>> -> memref<32x1024xf32, #tpu.memory_space<vmem>>
    %dma_start3A_63 = arith.constant 0 : i32
    %dma_start3A_64 = tpu.memref_slice %arg2[%add3A_18, %dma_start3A_63] : memref<8192x1024xf32, #tpu.memory_space<hbm>> -> memref<32x1024xf32, #tpu.memory_space<hbm>>
    tpu.enqueue_dma source(%dma_start3A_64 : memref<32x1024xf32, #tpu.memory_space<hbm>>) target(%dma_start3A_62 : memref<32x1024xf32, #tpu.memory_space<vmem>>) target_semaphore(%arg7 : memref<!tpu.dma_semaphore, #tpu.memory_space<semaphore_mem>>)
    %dma_wait3A_65 = arith.constant 0 : i32
    %dma_wait3A_66 = tpu.memref_slice %arg2[%add3A_14, %dma_wait3A_65] : memref<8192x1024xf32, #tpu.memory_space<hbm>> -> memref<48x1024xf32, #tpu.memory_space<hbm>>
    %dma_wait3A_67 = arith.constant 0 : i32
    %dma_wait3A_68 = tpu.memref_slice %arg2[%add3A_14, %dma_wait3A_67] : memref<8192x1024xf32, #tpu.memory_space<hbm>> -> memref<48x1024xf32, #tpu.memory_space<hbm>>
    tpu.wait_dma2 semaphore(%arg6 : memref<!tpu.dma_semaphore, #tpu.memory_space<semaphore_mem>>) src(%dma_wait3A_68 : memref<48x1024xf32, #tpu.memory_space<hbm>>) dst(%arg4 : memref<48x1024xf32, #tpu.memory_space<vmem>>)
    %dma_start3A_69 = arith.constant 0 : i32
    %dma_start3A_70 = tpu.memref_slice %arg3[%add3A_16, %dma_start3A_69] : memref<8192x1024xf32, #tpu.memory_space<hbm>> -> memref<48x1024xf32, #tpu.memory_space<hbm>>
    %dma_start3A_71 = arith.constant 0 : i32
    %dma_start3A_72 = tpu.memref_slice %arg3[%add3A_16, %dma_start3A_71] : memref<8192x1024xf32, #tpu.memory_space<hbm>> -> memref<48x1024xf32, #tpu.memory_space<hbm>>
    tpu.enqueue_dma source(%arg4 : memref<48x1024xf32, #tpu.memory_space<vmem>>) target(%dma_start3A_72 : memref<48x1024xf32, #tpu.memory_space<hbm>>) target_semaphore(%arg8 : memref<!tpu.dma_semaphore, #tpu.memory_space<semaphore_mem>>)
    %dma_wait3A_73 = arith.constant 0 : i32
    %dma_wait3A_74 = tpu.memref_slice %arg3[%add3A_16, %dma_wait3A_73] : memref<8192x1024xf32, #tpu.memory_space<hbm>> -> memref<48x1024xf32, #tpu.memory_space<hbm>>
    %dma_wait3A_75 = arith.constant 0 : i32
    %dma_wait3A_76 = tpu.memref_slice %arg3[%add3A_16, %dma_wait3A_75] : memref<8192x1024xf32, #tpu.memory_space<hbm>> -> memref<48x1024xf32, #tpu.memory_space<hbm>>
    tpu.wait_dma2 semaphore(%arg8 : memref<!tpu.dma_semaphore, #tpu.memory_space<semaphore_mem>>) src(%arg4 : memref<48x1024xf32, #tpu.memory_space<vmem>>) dst(%dma_wait3A_76 : memref<48x1024xf32, #tpu.memory_space<hbm>>)
    %dma_wait3A_77 = arith.constant 0 : i32
    %dma_wait3A_78 = arith.constant 0 : i32
    %dma_wait3A_79 = tpu.memref_slice %arg5[%dma_wait3A_77, %dma_wait3A_78] : memref<48x1024xf32, #tpu.memory_space<vmem>> -> memref<32x1024xf32, #tpu.memory_space<vmem>>
    %dma_wait3A_80 = arith.constant 0 : i32
    %dma_wait3A_81 = tpu.memref_slice %arg2[%add3A_18, %dma_wait3A_80] : memref<8192x1024xf32, #tpu.memory_space<hbm>> -> memref<32x1024xf32, #tpu.memory_space<hbm>>
    %dma_wait3A_82 = arith.constant 0 : i32
    %dma_wait3A_83 = arith.constant 0 : i32
    %dma_wait3A_84 = tpu.memref_slice %arg5[%dma_wait3A_82, %dma_wait3A_83] : memref<48x1024xf32, #tpu.memory_space<vmem>> -> memref<32x1024xf32, #tpu.memory_space<vmem>>
    %dma_wait3A_85 = arith.constant 0 : i32
    %dma_wait3A_86 = tpu.memref_slice %arg2[%add3A_18, %dma_wait3A_85] : memref<8192x1024xf32, #tpu.memory_space<hbm>> -> memref<32x1024xf32, #tpu.memory_space<hbm>>
    tpu.wait_dma2 semaphore(%arg7 : memref<!tpu.dma_semaphore, #tpu.memory_space<semaphore_mem>>) src(%dma_wait3A_86 : memref<32x1024xf32, #tpu.memory_space<hbm>>) dst(%dma_wait3A_84 : memref<32x1024xf32, #tpu.memory_space<vmem>>)
    %dma_start3A_87 = arith.constant 0 : i32
    %dma_start3A_88 = arith.constant 0 : i32
    %dma_start3A_89 = tpu.memref_slice %arg5[%dma_start3A_87, %dma_start3A_88] : memref<48x1024xf32, #tpu.memory_space<vmem>> -> memref<32x1024xf32, #tpu.memory_space<vmem>>
    %dma_start3A_90 = arith.constant 0 : i32
    %dma_start3A_91 = tpu.memref_slice %arg3[%add3A_20, %dma_start3A_90] : memref<8192x1024xf32, #tpu.memory_space<hbm>> -> memref<32x1024xf32, #tpu.memory_space<hbm>>
    %dma_start3A_92 = arith.constant 0 : i32
    %dma_start3A_93 = tpu.memref_slice %arg3[%add3A_20, %dma_start3A_92] : memref<8192x1024xf32, #tpu.memory_space<hbm>> -> memref<32x1024xf32, #tpu.memory_space<hbm>>
    %dma_start3A_94 = arith.constant 0 : i32
    %dma_start3A_95 = arith.constant 0 : i32
    %dma_start3A_96 = tpu.memref_slice %arg5[%dma_start3A_94, %dma_start3A_95] : memref<48x1024xf32, #tpu.memory_space<vmem>> -> memref<32x1024xf32, #tpu.memory_space<vmem>>
    tpu.enqueue_dma source(%dma_start3A_96 : memref<32x1024xf32, #tpu.memory_space<vmem>>) target(%dma_start3A_93 : memref<32x1024xf32, #tpu.memory_space<hbm>>) target_semaphore(%arg9 : memref<!tpu.dma_semaphore, #tpu.memory_space<semaphore_mem>>)
    %dma_wait3A_97 = arith.constant 0 : i32
    %dma_wait3A_98 = arith.constant 0 : i32
    %dma_wait3A_99 = tpu.memref_slice %arg5[%dma_wait3A_97, %dma_wait3A_98] : memref<48x1024xf32, #tpu.memory_space<vmem>> -> memref<32x1024xf32, #tpu.memory_space<vmem>>
    %dma_wait3A_100 = arith.constant 0 : i32
    %dma_wait3A_101 = tpu.memref_slice %arg3[%add3A_20, %dma_wait3A_100] : memref<8192x1024xf32, #tpu.memory_space<hbm>> -> memref<32x1024xf32, #tpu.memory_space<hbm>>
    %dma_wait3A_102 = arith.constant 0 : i32
    %dma_wait3A_103 = tpu.memref_slice %arg3[%add3A_20, %dma_wait3A_102] : memref<8192x1024xf32, #tpu.memory_space<hbm>> -> memref<32x1024xf32, #tpu.memory_space<hbm>>
    %dma_wait3A_104 = arith.constant 0 : i32
    %dma_wait3A_105 = arith.constant 0 : i32
    %dma_wait3A_106 = tpu.memref_slice %arg5[%dma_wait3A_104, %dma_wait3A_105] : memref<48x1024xf32, #tpu.memory_space<vmem>> -> memref<32x1024xf32, #tpu.memory_space<vmem>>
    tpu.wait_dma2 semaphore(%arg9 : memref<!tpu.dma_semaphore, #tpu.memory_space<semaphore_mem>>) src(%dma_wait3A_106 : memref<32x1024xf32, #tpu.memory_space<vmem>>) dst(%dma_wait3A_103 : memref<32x1024xf32, #tpu.memory_space<hbm>>)
    return
  }
}

</mosaic_0001>

<sc_bundles>
// kernel: kernel.3.cloned.1.call-start
scs
__scs_entry_jumppad:
0x0: {  	(pc) =	sbr.rel $0x88, $3  }
0x1: {  	(tag) =	ssettag $0x0;
	lr =	simm.s32 $0x1  }
0x2: {  	[smem:$0x3FA0] =	sst lr;
	_ =	strace $0xD0000000  }
0x3: {  	_ = 	snop  }
0x4: {  	_ = 	snop  }
0x5: {  	_ = 	snop  }
0x6: {  	_ = 	snop  }
0x7: {  	_ = 	snop  }
__scs_overlays_trampoline_lowered:
0x8: {  	[smem:$0x3FAF] =	sst s0  }
0x9: {  	[smem:$0x3FB0] =	sst s1  }
0xa: {  	[smem:$0x3FB1] =	sst s2  }
0xb: {  	[smem:$0x3FB2] =	sst s3  }
0xc: {  	[smem:$0x3FB3] =	sst s4  }
0xd: {  	[smem:$0x3FB4] =	sst s5  }
0xe: {  	[smem:$0x3FB5] =	sst s6  }
0xf: {  	[smem:$0x3FB6] =	sst s7  }
0x10: {  	[smem:$0x3FB7] =	sst s8  }
0x11: {  	[smem:$0x3FB8] =	sst s9;
	s0 =	simm.s32 @!p0 $0x0  }
0x12: {  	s1 =	sld [smem:$0x3F9E];
	s0 =	simm.s32 @p0 $0x1  }
0x13: {  	[smem:$0x3FB9] =	sst s0;
	s0 =	simm.s32 @!p1 $0x0  }
0x14: {  	s2 =	sld [smem:$0x3F9D];
	s0 =	simm.s32 @p1 $0x1  }
0x15: {  	[smem:$0x3FBA] =	sst s0;
	s0 =	simm.s32 @!p2 $0x0  }
0x16: {  	s3 =	sld [smem:$0x3FDB];
	s0 =	simm.s32 @p2 $0x1  }
0x17: {  	s4 =	simm.s32 $0x1BF5;
	[smem:$0x3FBC] =	sst s0  }
0x18: {  	s0 =	sld [smem:$0x3F9F];
	_ =	swait.ge [sflag:s4], $0x0  }
0x19: {  	s7 =	sld [smem:$0x3FA0]  }
0x1a: {  	s8 =	sadd.s32 $0xFFFFE003, lr  }
0x1b: {  	s9 =	sadd.s32 $0xFFFFFEF7, lr;
	s5 =	simm.s32 $0xFFFFFFFF;
	p2 =	slt.u32 s8, $0xFFFFF086  }
0x1c: {  	p1 =	slt.u32 s9, $0xF7A;
	s5 =	simm.s32 @!p2 $0x0  }
0x1d: {  	s5 =	simm.s32 @p1 $0x1;
	p0 =	seq.s32 s7, s2  }
0x1e: {  	s7 =	smul.u32 @!p0 $0xF7A, s2;
	p2 =	seq.s32 @!p0 s5, $0x0  }
0x1f: {  	s9 =	smul.u32 $0xF7A, s1;
	s8 =	simm.s32 @!p0 $0x1BF5;
	p2 =	por !p2, p0  }
0x20: {  	[sflag:s8] =	ssyncset.s32 @!p0 $0xFFFFF086;
	s6 =	sadd.s32 @!p0 s3, s7;
	s7 =	simm.s32 @!p0 $0x108  }
0x21: {  	s3 =	sadd.s32 s3, s9;
	s6 =	sadd.s32 @!p0 $0x88, s6;
	s7 =	simm.s32 @p2 $0x1082  }
0x22: {  	[simem:s7], [sflag:s8] =	dma.local @!p0 [hbm:s6], $0xF7A  }
0x23: {  	s9 =	sor.u32 $0xD0000000, s2;
	s6 =	simm.s32 $0x108;
	_ =	swait.ge @!p0 [sflag:s8], $0x0  }
0x24: {  	s3 =	sadd.s32 $0x88, s3;
	s6 =	simm.s32 @!p1 $0x1082;
	[sflag:s4] =	ssyncset.s32 $0xFFFFF086  }
0x25: {  	[simem:s6], [sflag:s4] =	dma.local [hbm:s3], $0xF7A  }
0x26: {  	[smem:$0x3FA0] =	sst s1;
	(tag) =	ssettag s2;
	_ =	strace s9  }
0x27: {  	s1 =	sld [smem:$0x3FB0]  }
0x28: {  	s2 =	sld [smem:$0x3FB1]  }
0x29: {  	s4 =	sld [smem:$0x3FB3]  }
0x2a: {  	p0 =	seq.s32 s5, $0x0;
	s5 =	sld [smem:$0x3FB4]  }
0x2b: {  	s6 =	sld [smem:$0x3FB5]  }
0x2c: {  	s7 =	sld [smem:$0x3FB6]  }
0x2d: {  	s3 =	simm.s32 $0x108;
	s8 =	sld [smem:$0x3FB7]  }
0x2e: {  	s3 =	simm.s32 @!p0 $0x1082;
	s9 =	sld [smem:$0x3FB8]  }
0x2f: {  	lr =	sadd.s32 s0, s3;
	s0 =	sld [smem:$0x3FAF]  }
0x30: {  	s3 =	sld [smem:$0x3FB2]  }
0x31: {  	[smem:$0x3FBB] =	sst s10  }
0x32: {  	s10 =	sld [smem:$0x3FB9];
	_ =	sdelay $0x3  }
0x33: {  	p0 =	seq.s32 s10, $0x1;
	s10 =	sld [smem:$0x3FBB];
	_ =	sdelay $0x3  }
0x34: {  	[smem:$0x3FBB] =	sst s10  }
0x35: {  	s10 =	sld [smem:$0x3FBA];
	_ =	sdelay $0x3  }
0x36: {  	p1 =	seq.s32 s10, $0x1;
	s10 =	sld [smem:$0x3FBB];
	_ =	sdelay $0x3  }
0x37: {  	[smem:$0x3FBB] =	sst s10  }
0x38: {  	s10 =	sld [smem:$0x3FBC]  }
0x39: {  	_ = 	snop;
	(pc) =	sbr.ind lr, $3  }
0x3a: {  	_ = 	snop  }
0x3b: {  	_ = 	snop  }
0x3c: {  	p2 =	seq.s32 s10, $0x1;
	s10 =	sld [smem:$0x3FBB]  }
0x3d: {  	_ =	shalt  }
0x3e: {  	_ =	shalt  }
0x3f: {  	_ =	shalt  }
0x40: {  	_ =	shalt  }
0x41: {  	_ =	shalt  }
0x42: {  	_ =	shalt  }
0x43: {  	_ =	shalt  }
0x44: {  	_ =	shalt  }
0x45: {  	_ =	shalt  }
0x46: {  	_ =	shalt  }
0x47: {  	_ =	shalt  }
0x48: {  	_ =	shalt  }
0x49: {  	_ =	shalt  }
0x4a: {  	_ =	shalt  }
0x4b: {  	_ =	shalt  }
0x4c: {  	_ =	shalt  }
0x4d: {  	_ =	shalt  }
0x4e: {  	_ =	shalt  }
0x4f: {  	_ =	shalt  }
0x50: {  	_ =	shalt  }
0x51: {  	_ =	shalt  }
0x52: {  	_ =	shalt  }
0x53: {  	_ =	shalt  }
0x54: {  	_ =	shalt  }
0x55: {  	_ =	shalt  }
0x56: {  	_ =	shalt  }
0x57: {  	_ =	shalt  }
0x58: {  	_ =	shalt  }
0x59: {  	_ =	shalt  }
0x5a: {  	_ =	shalt  }
0x5b: {  	_ =	shalt  }
0x5c: {  	_ =	shalt  }
0x5d: {  	_ =	shalt  }
0x5e: {  	_ =	shalt  }
0x5f: {  	_ =	shalt  }
0x60: {  	_ =	shalt  }
0x61: {  	_ =	shalt  }
0x62: {  	_ =	shalt  }
0x63: {  	_ =	shalt  }
0x64: {  	_ =	shalt  }
0x65: {  	_ =	shalt  }
0x66: {  	_ =	shalt  }
0x67: {  	_ =	shalt  }
0x68: {  	_ =	shalt  }
0x69: {  	_ =	shalt  }
0x6a: {  	_ =	shalt  }
0x6b: {  	_ =	shalt  }
0x6c: {  	_ =	shalt  }
0x6d: {  	_ =	shalt  }
0x6e: {  	_ =	shalt  }
0x6f: {  	_ =	shalt  }
0x70: {  	_ =	shalt  }
0x71: {  	_ =	shalt  }
0x72: {  	_ =	shalt  }
0x73: {  	_ =	shalt  }
0x74: {  	_ =	shalt  }
0x75: {  	_ =	shalt  }
0x76: {  	_ =	shalt  }
0x77: {  	_ =	shalt  }
0x78: {  	_ =	shalt  }
0x79: {  	_ =	shalt  }
0x7a: {  	_ =	shalt  }
0x7b: {  	_ =	shalt  }
0x7c: {  	_ =	shalt  }
0x7d: {  	_ =	shalt  }
0x7e: {  	_ =	shalt  }
0x7f: {  	_ =	shalt  }
0x80: {  	_ =	shalt  }
0x81: {  	_ =	shalt  }
0x82: {  	_ =	shalt  }
0x83: {  	_ =	shalt  }
0x84: {  	_ =	shalt  }
0x85: {  	_ =	shalt  }
0x86: {  	_ =	shalt  }
0x87: {  	_ =	shalt  }
.Lfunc_end0:
.L_simem_size_0:
called_computation_lowered:
.L_overlay_start_0:
0x88: {  	s1 =	sld [smem:$0x3FD9]  }
0x89: {  	s3 =	sld [smem:$0x3FFE];
	_ =	sdelay $0x1  }
0x8a: {  	s2 =	srdreg.scid  }
0x8b: {  	s0 =	sand.u32 $0x1, s2  }
0x8c: {  	s24 =	sshll.u32 s0, $0xA;
	s1 =	sadd.s32 s3, s1  }
0x8d: {  	s1 =	sadd.s32 s1, s24  }
0x8e: {  	[smem:$0x3FC7] =	sst s1  }
0x8f: {  	_ = 	snop  }
0x90: {  	s1 =	simm.s32 $0x0;
	s4 =	sld [smem:$0x3FC9]  }
0x91: {  	[smem:$0xF] =	sst s1  }
0x92: {  	s3 =	sld [smem:$0x3FD0];
	(tm) =	ssettm $0x1  }
0x93: {  	s5 =	sld [smem:$0x3FFB];
	_ =	sdelay $0x3  }
0x94: {  	_ =	strace s5  }
0x95: {  	s5 =	sld [smem:$0x3FFC];
	_ =	sdelay $0x3  }
0x96: {  	_ =	strace s5  }
0x97: {  	s5 =	sld [smem:$0x3FFD];
	_ =	sdelay $0x3  }
0x98: {  	_ =	strace s5  }
0x99: {  	_ =	strace $0x8FFFFFFF  }
0x9a: {  	s25 =	sld [smem:$0x3FDB];
	_ =	sdelay $0x2  }
0x9b: {  	s6 =	simm.s32 $_scs_section_size;
	s7 =	simm.s32 $_tile_overlayer_lowered  }
0x9c: {  	s26 =	simm.s32 $_size__tile_overlayer_lowered;
	s7 =	sshll.u32 s7, $0x1;
	s5 =	sadd.s32 s6, s25  }
0x9d: {  	s8 =	simm.s32 $0x1BFF;
	s6 =	sshll.u32 s26, $0x1;
	s7 =	sadd.s32 s7, s5  }
0x9e: {  	[timem:s1], [sflag:s8] =	dma.local [hbm:s7], s6  }
0x9f: {  	_ =	swait.ge [sflag:s8], s6  }
0xa0: {  	s6 =	ssub.s32 $0x0, s6;
	[sflag:s8] =	ssyncset.done $0x0  }
0xa1: {  	[sflag:s8] =	ssyncadd.s32 s6;
	_ =	sdelay $0x1  }
0xa2: {  	s28 =	simm.s32 $0x1B8B  }
0xa3: {  	_ =	swait.ge [sflag:s28], $0x1  }
0xa4: {  	[sflag:s28] =	ssyncset.done $0x0  }
0xa5: {  	s29 =	simm.s32 $0x1B8E;
	[sflag:s28] =	ssyncadd.s32 $0xFFFFFFFF  }
0xa6: {  	s30 =	simm.s32 $execute0_lowered;
	[smem:$0x3FD2] =	sst s29  }
0xa7: {  	s6 =	sshll.u32 s30, $0x1;
	_ =	strace $0x80000046;
	[dreg:$0x1] =	wrdreg $0xFFFFFFFF  }
0xa8: {  	s31 =	simm.s32 $_size_execute0_lowered;
	s5 =	sadd.s32 s5, s6;
	[dreg:$0x0] =	wrdreg $0x0  }
0xa9: {  	s6 =	sshll.u32 s31, $0x1;
	[dreg:$0x2] =	wrdreg s5  }
0xaa: {  	[dreg:$0x3] =	wrdreg s6  }
0xab: {  	[dreg:$0x4] =	wrdreg $0xC0  }
0xac: {  	_ =	task [dreg:s1], $0x5FFFF  }
0xad: {  	[dreg:$0x1] =	wrdreg $0xFFFFFFFF  }
0xae: {  	s10 =	simm.s32 $0xA;
	[dreg:$0x0] =	wrdreg $0x60  }
0xaf: {  	s9 =	simm.s32 $0x30000;
	s13 =	simm.s32 $0xC;
	[dreg:$0x2] =	wrdreg s4  }
0xb0: {  	s14 =	simm.s32 $0x3A000;
	s7 =	sshll.u32 s0, $0x13;
	[dreg:$0x3] =	wrdreg s3  }
0xb1: {  	s11 =	sor.u32 $0x5000, s7;
	s12 =	sor.u32 $0xA000, s7;
	[dreg:$0x4] =	wrdreg $0x9  }
0xb2: {  	s30 =	sadd.s32 s7, s4;
	s31 =	sadd.s32 s11, s4;
	_ =	task.clear_ibuf [dreg:s1], $0x5FFFF  }
0xb3: {  	[spmem:s9], [sflag:s10] =	dma.local [hbm:s30], $0x5000  }
0xb4: {  	s29 =	simm.s32 $0x35000;
	s5 =	simm.s32 $0xB;
	s30 =	sadd.s32 s12, s4  }
0xb5: {  	[spmem:s29], [sflag:s5] =	dma.local [hbm:s31], $0x5000  }
0xb6: {  	[spmem:s14], [sflag:s13] =	dma.local [hbm:s30], $0x5000  }
0xb7: {  	_ =	swait.ge [sflag:s10], $0x5000  }
0xb8: {  	[sflag:s10] =	ssyncset.done $0x0  }
0xb9: {  	[sflag:s10] =	ssyncadd.s32 $0xFFFFB000  }
0xba: {  	s15 =	sadd.s32 s7, s3;
	s31 =	simm.s32 $0xD  }
0xbb: {  	[hbm:s15], [sflag:s31] =	dma.local [spmem:s9], $0x5000  }
0xbc: {  	_ =	swait.ge [sflag:s5], $0x5000  }
0xbd: {  	[sflag:s5] =	ssyncset.done $0x0  }
0xbe: {  	[sflag:s5] =	ssyncadd.s32 $0xFFFFB000  }
0xbf: {  	s18 =	simm.s32 $0xE;
	s17 =	sadd.s32 s11, s3  }
0xc0: {  	[hbm:s17], [sflag:s18] =	dma.local [spmem:s29], $0x5000  }
0xc1: {  	_ =	swait.ge [sflag:s13], $0x5000  }
0xc2: {  	[sflag:s13] =	ssyncset.done $0x0  }
0xc3: {  	[sflag:s13] =	ssyncadd.s32 $0xFFFFB000  }
0xc4: {  	s19 =	simm.s32 $0xF;
	s12 =	sadd.s32 s12, s3  }
0xc5: {  	[hbm:s12], [sflag:s19] =	dma.local [spmem:s14], $0x5000  }
0xc6: {  	_ =	swait.ge [sflag:s31], $0x5000  }
0xc7: {  	[sflag:s31] =	ssyncset.done $0x0  }
0xc8: {  	s20 =	sor.u32 $0xF000, s7;
	[sflag:s31] =	ssyncadd.s32 $0xFFFFB000  }
0xc9: {  	s16 =	sadd.s32 s20, s4  }
0xca: {  	[spmem:s9], [sflag:s10] =	dma.local [hbm:s16], $0x5000  }
0xcb: {  	_ =	swait.ge [sflag:s10], $0x5000  }
0xcc: {  	[sflag:s10] =	ssyncset.done $0x0  }
0xcd: {  	[sflag:s10] =	ssyncadd.s32 $0xFFFFB000  }
0xce: {  	s12 =	sadd.s32 s20, s3  }
0xcf: {  	[hbm:s12], [sflag:s31] =	dma.local [spmem:s9], $0x5000  }
0xd0: {  	_ =	swait.ge [sflag:s18], $0x5000  }
0xd1: {  	[sflag:s18] =	ssyncset.done $0x0  }
0xd2: {  	s21 =	sor.u32 $0x14000, s7;
	[sflag:s18] =	ssyncadd.s32 $0xFFFFB000  }
0xd3: {  	s22 =	sadd.s32 s21, s4  }
0xd4: {  	[spmem:s29], [sflag:s5] =	dma.local [hbm:s22], $0x5000  }
0xd5: {  	_ =	swait.ge [sflag:s5], $0x5000  }
0xd6: {  	[sflag:s5] =	ssyncset.done $0x0  }
0xd7: {  	[sflag:s5] =	ssyncadd.s32 $0xFFFFB000  }
0xd8: {  	s12 =	sadd.s32 s21, s3  }
0xd9: {  	[hbm:s12], [sflag:s18] =	dma.local [spmem:s29], $0x5000  }
0xda: {  	_ =	swait.ge [sflag:s19], $0x5000  }
0xdb: {  	[sflag:s19] =	ssyncset.done $0x0  }
0xdc: {  	s23 =	sor.u32 $0x19000, s7;
	[sflag:s19] =	ssyncadd.s32 $0xFFFFB000  }
0xdd: {  	s24 =	sadd.s32 s23, s4  }
0xde: {  	[spmem:s14], [sflag:s13] =	dma.local [hbm:s24], $0x5000  }
0xdf: {  	_ =	swait.ge [sflag:s13], $0x5000  }
0xe0: {  	[sflag:s13] =	ssyncset.done $0x0  }
0xe1: {  	[sflag:s13] =	ssyncadd.s32 $0xFFFFB000  }
0xe2: {  	s12 =	sadd.s32 s23, s3  }
0xe3: {  	[hbm:s12], [sflag:s19] =	dma.local [spmem:s14], $0x5000  }
0xe4: {  	_ =	swait.ge [sflag:s31], $0x5000  }
0xe5: {  	[sflag:s31] =	ssyncset.done $0x0  }
0xe6: {  	s25 =	sor.u32 $0x1E000, s7;
	[sflag:s31] =	ssyncadd.s32 $0xFFFFB000  }
0xe7: {  	s26 =	sadd.s32 s25, s4  }
0xe8: {  	[spmem:s9], [sflag:s10] =	dma.local [hbm:s26], $0x5000  }
0xe9: {  	_ =	swait.ge [sflag:s10], $0x5000  }
0xea: {  	[sflag:s10] =	ssyncset.done $0x0  }
0xeb: {  	[sflag:s10] =	ssyncadd.s32 $0xFFFFB000  }
0xec: {  	s28 =	sadd.s32 s25, s3  }
0xed: {  	[hbm:s28], [sflag:s31] =	dma.local [spmem:s9], $0x5000  }
0xee: {  	_ =	swait.ge [sflag:s18], $0x5000  }
0xef: {  	[sflag:s18] =	ssyncset.done $0x0  }
0xf0: {  	s6 =	sor.u32 $0x23000, s7;
	[sflag:s18] =	ssyncadd.s32 $0xFFFFB000  }
0xf1: {  	s4 =	sadd.s32 s6, s4  }
0xf2: {  	[spmem:s29], [sflag:s5] =	dma.local [hbm:s4], $0x5000  }
0xf3: {  	_ =	swait.ge [sflag:s5], $0x5000  }
0xf4: {  	[sflag:s5] =	ssyncset.done $0x0  }
0xf5: {  	[sflag:s5] =	ssyncadd.s32 $0xFFFFB000  }
0xf6: {  	s3 =	sadd.s32 s6, s3  }
0xf7: {  	[hbm:s3], [sflag:s18] =	dma.local [spmem:s29], $0x5000  }
0xf8: {  	_ =	swait.ge [sflag:s19], $0x5000  }
0xf9: {  	[sflag:s19] =	ssyncset.done $0x0  }
0xfa: {  	[sflag:s19] =	ssyncadd.s32 $0xFFFFB000;
	_ =	sdelay $0x2  }
0xfb: {  	_ =	swait.ge [sflag:s31], $0x5000  }
0xfc: {  	[sflag:s31] =	ssyncset.done $0x0  }
0xfd: {  	[sflag:s31] =	ssyncadd.s32 $0xFFFFB000;
	_ =	sdelay $0x2  }
0xfe: {  	_ =	swait.ge [sflag:s18], $0x5000  }
0xff: {  	[sflag:s18] =	ssyncset.done $0x0  }
0x100: {  	[sflag:s18] =	ssyncadd.s32 $0xFFFFB000  }
0x101: {  	_ =	strace $0x90000046  }
0x102: {  	s29 =	simm.s32 $0x9;
	_ =	strace $0x80000048  }
0x103: {  	_ =	swait.ge [sflag:s29], $0x1  }
0x104: {  	[sflag:s29] =	ssyncadd.s32 $0xFFFFFFFF  }
0x105: {  	_ =	strace $0x90000048  }
0x106: {  	_ =	sfence  }
0x107: {  	s30 =	sld [smem:$0x0];
	_ =	sdelay $0x2  }
0x108: {  	s31 =	sshll.u32 s2, $0xD;
	s2 =	sshrl.u32 s2, $0x2  }
0x109: {  	s4 =	sand.u32 $0x4000, s31;
	s2 =	sadd.s32 s2, s30  }
0x10a: {  	s0 =	sor.u32 s4, s0;
	s2 =	sshll.u32 s2, $0x11  }
0x10b: {  	s0 =	sor.u32 s2, s0  }
0x10c: {  	s0 =	sadd.s32 $0x8F2B, s0  }
0x10d: {  	[sflag:s0] =	ssyncadd.remote.s32 $0x1  }
0x10e: {  	_ =	sfence.sel $0xFFFF  }
0x10f: {  	[dreg:$0x0] =	wrdreg $0xFFFFFFFF;
	(pc) =	sbr.abs _section_cstart, $3  }
0x110: {  	[dreg:$0x1] =	wrdreg $0xFFFFFFFF  }
0x111: {  	_ =	task.clear_ibuf [dreg:s1], $0x2FFFF;
	_ =	strace $0x9FFFFFFF  }
0x112: {  	(tm) =	ssettm $0x7FFFFFFF  }
0x113: {  	_ =	shalt  }
tec
execute0_lowered:
.L_overlay_start_1:
0x0: {  	(tag) =	ssettag $0x1  }
0x1: {  	s1 =	srdreg.scid;
	s0 =	stileid.u32  }
0x2: {  	s13 =	rddreg [dreg:$0x0];
	s15 =	sand.u32 $0x1, s1;
	s3 =	smul.u32 $0x5800, s0  }
0x3: {  	s16 =	rddreg [dreg:$0x1];
	s4 =	sshll.u32 s15, $0x13  }
0x4: {  	s2 =	simm.s32 $0x0;
	s1 =	rddreg [dreg:$0x2];
	s14 =	sor.u32 s3, s4  }
0x5: {  	[smem:$0x7FF] =	sst s2;
	s7 =	sadd.s32 $0x28000, s14  }
0x6: {  	_ =	strace $0x80000047;
	s11 =	sadd.s32 $0x29800, s14;
	s3 =	sadd.s32 s13, s7  }
0x7: {  	[tilespmem:s2], [sflag:$0x1] =	stream.linear.gather [hbm4b:s3+s2], $0xC000, $0x38;
	[tilespmem:$0x1F800] =	vst v63  }
0x8: {  	s5 =	simm.s32 $0xC000;
	s6 =	simm.s32 $0x1;
	s4 =	sadd.s32 s13, s11  }
0x9: {  	[tilespmem:s5], [sflag:$0x2] =	stream.linear.gather [hbm4b:s4+s2], $0xC000, $0x38;
	[tilespmem:$0x1F800] =	vst v63  }
0xa: {  	_ =	swait.ge [sflag:s6], $0xC000  }
0xb: {  	[sflag:s6] =	ssyncset.done $0x0  }
0xc: {  	s8 =	simm.s32 $0x3;
	s7 =	sadd.s32 s16, s7;
	[sflag:s6] =	ssyncadd.s32 $0xFFFF4000  }
0xd: {  	[hbm4b:s7+s2] =	stream.linear.scatter [tilespmem:s2], [sflag:$0x3], $0xC000, $0x38;
	[tilespmem:$0x1F800] =	vst v63  }
0xe: {  	_ =	swait.ge [sflag:s8], $0xC000  }
0xf: {  	s17 =	sadd.s32 $0x2B000, s14;
	[sflag:s8] =	ssyncset.done $0x0  }
0x10: {  	s10 =	simm.s32 $0x2;
	s9 =	sadd.s32 s13, s17;
	[sflag:s8] =	ssyncadd.s32 $0xFFFF4000  }
0x11: {  	[tilespmem:s2], [sflag:$0x1] =	stream.linear.gather [hbm4b:s9+s2], $0xC000, $0x38;
	[tilespmem:$0x1F800] =	vst v63  }
0x12: {  	_ =	swait.ge [sflag:s10], $0xC000  }
0x13: {  	[sflag:s10] =	ssyncset.done $0x0  }
0x14: {  	s12 =	sadd.s32 s16, s11;
	s11 =	simm.s32 $0x4;
	[sflag:s10] =	ssyncadd.s32 $0xFFFF4000  }
0x15: {  	[hbm4b:s12+s2] =	stream.linear.scatter [tilespmem:s5], [sflag:$0x4], $0xC000, $0x38;
	[tilespmem:$0x1F800] =	vst v63  }
0x16: {  	_ =	swait.ge [sflag:s11], $0xC000  }
0x17: {  	s18 =	sadd.s32 $0x2C800, s14;
	[sflag:s11] =	ssyncset.done $0x0  }
0x18: {  	s13 =	sadd.s32 s13, s18;
	[sflag:s11] =	ssyncadd.s32 $0xFFFF4000  }
0x19: {  	[tilespmem:s5], [sflag:$0x2] =	stream.linear.gather [hbm4b:s13+s2], $0x8000, $0x38;
	[tilespmem:$0x1F800] =	vst v63  }
0x1a: {  	_ =	swait.ge [sflag:s6], $0xC000  }
0x1b: {  	[sflag:s6] =	ssyncset.done $0x0  }
0x1c: {  	s15 =	ssub.s32 $0x2, s15;
	s14 =	sadd.s32 s16, s17;
	[sflag:s6] =	ssyncadd.s32 $0xFFFF4000  }
0x1d: {  	[hbm4b:s14+s2] =	stream.linear.scatter [tilespmem:s2], [sflag:$0x3], $0xC000, $0x38;
	[tilespmem:$0x1F800] =	vst v63  }
0x1e: {  	s30 =	sshrl.u32 s15, $0x1;
	_ =	swait.ge [sflag:s8], $0xC000  }
0x1f: {  	s17 =	ssub.s32 s15, s30;
	[sflag:s8] =	ssyncset.done $0x0  }
0x20: {  	s31 =	smax.u32 s17, $0x1;
	[sflag:s8] =	ssyncadd.s32 $0xFFFF4000  }
0x21: {  	p0 =	sne.s32 s31, $0x1;
	_ =	swait.ge [sflag:s10], $0x8000  }
.Ltmp0:
0x22: {  	[sflag:s10] =	ssyncset.done $0x0;
	(pc) =	sbr.rel @!p0 .LBB2_2-.Ltmp0, $4  }
0x23: {  	s15 =	sadd.s32 s16, s18;
	[sflag:s10] =	ssyncadd.s32 $0xFFFF8000  }
0x24: {  	[hbm4b:s15+s2] =	stream.linear.scatter [tilespmem:s5], [sflag:$0x4], $0x8000, $0x38;
	[tilespmem:$0x1F800] =	vst v63  }
0x25: {  	_ =	swait.ge [sflag:s11], $0x8000  }
0x26: {  	s16 =	sadd.s32 $0xFFFFFFFF, s31;
	[sflag:s11] =	ssyncset.done $0x0  }
.LBB2_1:
0x27: {  	p0 =	sne.s32 s16, $0x1;
	s16 =	sadd.s32 $0xFFFFFFFF, s16;
	[sflag:s11] =	ssyncadd.s32 $0xFFFF8000  }
0x28: {  	[tilespmem:s2], [sflag:$0x1] =	stream.linear.gather [hbm4b:s3+s2], $0xC000, $0x38;
	[tilespmem:$0x1F800] =	vst v63  }
0x29: {  	_ = 	snop  }
0x2a: {  	[tilespmem:s5], [sflag:$0x2] =	stream.linear.gather [hbm4b:s4+s2], $0xC000, $0x38;
	[tilespmem:$0x1F800] =	vst v63  }
0x2b: {  	_ =	swait.ge [sflag:s6], $0xC000  }
0x2c: {  	[sflag:s6] =	ssyncset.done $0x0  }
0x2d: {  	[sflag:s6] =	ssyncadd.s32 $0xFFFF4000  }
0x2e: {  	[hbm4b:s7+s2] =	stream.linear.scatter [tilespmem:s2], [sflag:$0x3], $0xC000, $0x38;
	[tilespmem:$0x1F800] =	vst v63  }
0x2f: {  	_ =	swait.ge [sflag:s8], $0xC000  }
0x30: {  	[sflag:s8] =	ssyncset.done $0x0  }
0x31: {  	[sflag:s8] =	ssyncadd.s32 $0xFFFF4000  }
0x32: {  	[tilespmem:s2], [sflag:$0x1] =	stream.linear.gather [hbm4b:s9+s2], $0xC000, $0x38;
	[tilespmem:$0x1F800] =	vst v63  }
0x33: {  	_ =	swait.ge [sflag:s10], $0xC000  }
0x34: {  	[sflag:s10] =	ssyncset.done $0x0  }
0x35: {  	[sflag:s10] =	ssyncadd.s32 $0xFFFF4000  }
0x36: {  	[hbm4b:s12+s2] =	stream.linear.scatter [tilespmem:s5], [sflag:$0x4], $0xC000, $0x38;
	[tilespmem:$0x1F800] =	vst v63  }
0x37: {  	_ =	swait.ge [sflag:s11], $0xC000  }
0x38: {  	[sflag:s11] =	ssyncset.done $0x0  }
0x39: {  	[sflag:s11] =	ssyncadd.s32 $0xFFFF4000  }
0x3a: {  	[tilespmem:s5], [sflag:$0x2] =	stream.linear.gather [hbm4b:s13+s2], $0x8000, $0x38;
	[tilespmem:$0x1F800] =	vst v63  }
0x3b: {  	_ =	swait.ge [sflag:s6], $0xC000  }
0x3c: {  	[sflag:s6] =	ssyncset.done $0x0  }
0x3d: {  	[sflag:s6] =	ssyncadd.s32 $0xFFFF4000  }
0x3e: {  	[hbm4b:s14+s2] =	stream.linear.scatter [tilespmem:s2], [sflag:$0x3], $0xC000, $0x38;
	[tilespmem:$0x1F800] =	vst v63  }
0x3f: {  	_ =	swait.ge [sflag:s8], $0xC000  }
0x40: {  	[sflag:s8] =	ssyncset.done $0x0  }
0x41: {  	[sflag:s8] =	ssyncadd.s32 $0xFFFF4000  }
0x42: {  	_ =	swait.ge [sflag:s10], $0x8000  }
.Ltmp1:
0x43: {  	[sflag:s10] =	ssyncset.done $0x0;
	(pc) =	sbr.rel @p0 .LBB2_1-.Ltmp1, $4  }
0x44: {  	[sflag:s10] =	ssyncadd.s32 $0xFFFF8000  }
0x45: {  	[hbm4b:s15+s2] =	stream.linear.scatter [tilespmem:s5], [sflag:$0x4], $0x8000, $0x38;
	[tilespmem:$0x1F800] =	vst v63  }
0x46: {  	_ =	swait.ge [sflag:s11], $0x8000  }
0x47: {  	[sflag:s11] =	ssyncset.done $0x0  }
.LBB2_2:
0x48: {  	[sflag:s11] =	ssyncadd.s32 $0xFFFF8000  }
0x49: {  	_ =	sfence.sel $0x180000  }
0x4a: {  	[bflag:$0x0] =	sbarrier.arrive $0xFFFF  }
0x4b: {  	p0 =	sne.s32 s0, $0x0;
	_ =	strace $0x90000047  }
0x4c: {  	s0 =	sadd.s32 @!p0 $0x100000, s1;
	[bflag:$0x2] =	sbarrier.arrive $0xFFFF  }
0x4d: {  	[sflag:s0] =	ssyncadd.tile.s32 @!p0 $0x1;
	_ =	shalt  }
.Lfunc_end2:
_tile_overlayer_lowered:
.L_overlay_start_2:
0x4e: {  	(tag) =	ssettag $0x2  }
0x4f: {  	s0 =	rddreg [dreg:$0x0];
	s2 =	stileid.u32  }
0x50: {  	s1 =	rddreg [dreg:$0x1];
	p0 =	sne.s32 s2, $0x0  }
0x51: {  	s3 =	rddreg [dreg:$0x2];
	[bflag:$0x3] =	sbarrier.arrive $0xFFFF;
	s2 =	simm.s32 @!p0 $0x1C05  }
0x52: {  	[timem:s3], [sflag:s2] =	dma.local @!p0 [hbm:s0], s1  }
0x53: {  	s0 =	simm.s32 @!p0 $0x5  }
0x54: {  	_ =	swait.ge @!p0 [sflag:s0], s1  }
0x55: {  	s1 =	ssub.s32 @!p0 $0x0, s1;
	[sflag:s0] =	ssyncset.done @!p0 $0x0  }
0x56: {  	[sflag:s0] =	ssyncadd.s32 @!p0 s1  }
0x57: {  	[bflag:$0x3] =	sbarrier.arrive $0xFFFF  }
0x58: {  	_ =	shalt  }

</sc_bundles>
